<compile_context>
chip_gen: v7x
topology: tpu7x:2x2x1
jax: 0.10.2.dev20260603
libtpu: 0.0.44.dev20260713+nightly
codegen_flags: <defaults>
</compile_context>

<pallas_src>
import jax
import jax.numpy as jnp
from jax import lax
from jax.experimental import pallas as pl
from jax.experimental.pallas import tpu as pltpu
from jax.experimental.pallas import tpu_sc as plsc

H_DIM = 128
KSEL = 16
P = 64
D1 = 512
D2 = 256
EPS = 1e-5
NROW = 16384
NK = NROW * KSEL
B = 16
R0 = 512
R = 1024
NS0 = NROW // R0
NS = NROW // R
KP = KSEL * P


def _lrelu(x):
    return jnp.where(x >= 0, x, 0.01 * x)


def _sel_body(px_ref, pxc_ref, py_ref, pyc_ref, ones_ref, i64_ref, tie_ref,
              sel_ref):
    f32 = jnp.float32
    iota64 = jnp.broadcast_to(i64_ref[...], (KP, P))
    tiem = tie_ref[...]
    for b in range(B):
        pxr = px_ref[b:b + 1, :]
        pyr = py_ref[b:b + 1, :]
        pxc = pxc_ref[b]
        pyc = pyc_ref[b]
        dx = pxc - pxr
        dy = pyc - pyr
        d = jnp.sqrt(dx * dx + dy * dy)
        drep = jnp.tile(d, (KSEL, 1))
        dkb = jnp.concatenate(
            [jnp.broadcast_to(d[:, k:k + 1], (P, P)) for k in range(KSEL)],
            axis=0)
        m = (jnp.where(drep < dkb, 1.0, 0.0)
             + jnp.where(drep == dkb, tiem, 0.0))
        rkb = lax.dot(m, ones_ref[...], preferred_element_type=f32)
        off = (pl.program_id(0) * B + b) * P
        sel_ref[b] = rkb[:, 0:1].astype(jnp.int32) + off


def _mlp_body(x_ref, w1_ref, b1_ref, g1_ref, be1_ref, w2_ref, b2_ref,
              g2_ref, be2_ref, out_ref, y1_ref, y2_ref,
              s1_ref, q1_ref, s2_ref, q2_ref):
    t = pl.program_id(0)
    f32 = jnp.float32
    dot = lambda a, b: lax.dot(a, b, preferred_element_type=f32)
    nf = jnp.float32(NROW)

    @pl.when(t < NS0)
    def _phase0():
        i = t
        y = lax.dot(x_ref[...].astype(jnp.bfloat16), w1_ref[...],
                    preferred_element_type=f32)
        y = y + b1_ref[...]
        y1_ref[pl.ds(i * R0, R0), :] = y

        @pl.when(i == 0)
        def _():
            s1_ref[...] = jnp.zeros_like(s1_ref)
            q1_ref[...] = jnp.zeros_like(q1_ref)

        s1_ref[...] += jnp.sum(y, axis=0, keepdims=True)
        q1_ref[...] += jnp.sum(y * y, axis=0, keepdims=True)

    @pl.when((t >= NS0) & (t < NS0 + NS))
    def _phase1():
        i = t - NS0
        mean = s1_ref[...] / nf
        var = q1_ref[...] / nf - mean * mean
        scale = g1_ref[...] / jnp.sqrt(var + EPS)
        z = (y1_ref[pl.ds(i * R, R), :] - mean) * scale + be1_ref[...]
        z = _lrelu(z)
        y = dot(z, w2_ref[...])
        y = y + b2_ref[...]
        y2_ref[pl.ds(i * R, R), :] = y.astype(jnp.bfloat16)

        @pl.when(i == 0)
        def _():
            s2_ref[...] = jnp.zeros_like(s2_ref)
            q2_ref[...] = jnp.zeros_like(q2_ref)

        s2_ref[...] += jnp.sum(y, axis=0, keepdims=True)
        q2_ref[...] += jnp.sum(y * y, axis=0, keepdims=True)

    @pl.when(t >= NS0 + NS)
    def _phase2():
        i = t - NS0 - NS
        mean = s2_ref[...] / nf
        var = q2_ref[...] / nf - mean * mean
        scale = g2_ref[...] / jnp.sqrt(var + EPS)
        z = (y2_ref[pl.ds(i * R, R), :].astype(f32) - mean) * scale \
            + be2_ref[...]
        out_ref[...] = _lrelu(z)


def _make_sc_gather():
    info = plsc.get_sparse_core_info()
    NC, NS_, L = info.num_cores, info.num_subcores, info.num_lanes
    NW = NC * NS_
    per_w = NK // NW
    CH = 128
    NCH = per_w // CH
    mesh = plsc.VectorSubcoreMesh(core_axis_name="c", subcore_axis_name="s")

    @jax.jit
    def run(table, idx):
        import functools

        @functools.partial(
            pl.kernel, mesh=mesh,
            out_type=jax.ShapeDtypeStruct((NK, H_DIM), jnp.float32),
            scratch_types=[
                pltpu.VMEM((CH,), jnp.int32),
                pltpu.VMEM((CH, H_DIM), jnp.float32),
                pltpu.SemaphoreType.DMA,
            ],
        )
        def k(table_hbm, idx_hbm, out_hbm, idx_v, rows_v, sem):
            wid = lax.axis_index("s") * NC + lax.axis_index("c")
            base = wid * per_w

            def body(c, carry):
                off = base + c * CH
                pltpu.sync_copy(idx_hbm.at[pl.ds(off, CH)], idx_v)
                pltpu.async_copy(table_hbm.at[idx_v], rows_v, sem).wait()
                pltpu.sync_copy(rows_v, out_hbm.at[pl.ds(off, CH)])
                return carry

            lax.fori_loop(0, NCH, body, 0)

        return k(table, idx)

    return run


_sc_gather = _make_sc_gather()


def kernel(h_states, seq_start_end, last_pos, W1, b1, g1, be1, W2, b2, g2, be2):
    G = seq_start_end.shape[0]
    N = h_states.shape[0]

    px = last_pos[:, 0].reshape(G, P)
    py = last_pos[:, 1].reshape(G, P)
    pxc = px.reshape(G, P, 1)
    pyc = py.reshape(G, P, 1)

    ridx = jnp.arange(KP, dtype=jnp.int32)
    nidx = jnp.arange(P, dtype=jnp.int32)
    ones64 = jnp.ones((P, P), jnp.float32)
    i64 = nidx.astype(jnp.float32).reshape(1, P)
    tie2 = (nidx[None, :] < (ridx[:, None] // P)).astype(jnp.float32)

    sel = pl.pallas_call(
        _sel_body,
        grid=(G // B,),
        in_specs=[
            pl.BlockSpec((B, P), lambda i: (i, 0)),
            pl.BlockSpec((B, P, 1), lambda i: (i, 0, 0)),
            pl.BlockSpec((B, P), lambda i: (i, 0)),
            pl.BlockSpec((B, P, 1), lambda i: (i, 0, 0)),
            pl.BlockSpec((P, P), lambda i: (0, 0)),
            pl.BlockSpec((1, P), lambda i: (0, 0)),
            pl.BlockSpec((KP, P), lambda i: (0, 0)),
        ],
        out_specs=pl.BlockSpec((B, KP, 1), lambda i: (i, 0, 0)),
        out_shape=jax.ShapeDtypeStruct((G, KP, 1), jnp.int32),
    )(px, pxc, py, pyc, ones64, i64, tie2)

    idx = sel.reshape(G, KSEL, P).transpose(0, 2, 1).reshape(NK)

    x = _sc_gather(h_states, idx)
    x2 = x.reshape(N, KSEL * H_DIM)

    const2 = lambda t: (0, 0)
    out = pl.pallas_call(
        _mlp_body,
        grid=(NS0 + 2 * NS,),
        in_specs=[
            pl.BlockSpec((R0, KSEL * H_DIM), lambda t: (jnp.where(t < NS0, t, 0), 0)),
            pl.BlockSpec((KSEL * H_DIM, D1), const2),
            pl.BlockSpec((1, D1), const2),
            pl.BlockSpec((1, D1), const2),
            pl.BlockSpec((1, D1), const2),
            pl.BlockSpec((D1, D2), const2),
            pl.BlockSpec((1, D2), const2),
            pl.BlockSpec((1, D2), const2),
            pl.BlockSpec((1, D2), const2),
        ],
        out_specs=pl.BlockSpec(
            (R, D2), lambda t: (jnp.where(t >= NS0 + NS, t - NS0 - NS, 0), 0)),
        out_shape=jax.ShapeDtypeStruct((N, D2), jnp.float32),
        scratch_shapes=[
            pltpu.VMEM((NROW, D1), jnp.float32),
            pltpu.VMEM((NROW, D2), jnp.bfloat16),
            pltpu.VMEM((1, D1), jnp.float32),
            pltpu.VMEM((1, D1), jnp.float32),
            pltpu.VMEM((1, D2), jnp.float32),
            pltpu.VMEM((1, D2), jnp.float32),
        ],
    )(x2, W1.astype(jnp.bfloat16), b1.reshape(1, D1), g1.reshape(1, D1),
      be1.reshape(1, D1), W2, b2.reshape(1, D2), g2.reshape(1, D2),
      be2.reshape(1, D2))

    return out

# --- scband reference (transcript-rebuilt; emitter-appended) ---
"""Pipeline reference for scband-trajectory-generator-16432544875315 (READ-ONLY COPY).

The authoritative reference and input builder live on the scoring server;
editing this copy changes nothing except your own understanding.
"""

import jax, jax.numpy as jnp
import numpy as np

H_DIM = 128
MAX_CONSIDERED_PED = 16
BOTTLENECK_DIM = 256
NUM_SEQ = 256
PED_PER_SEQ = 64
N = NUM_SEQ * PED_PER_SEQ


def _bn(x, gamma, beta):
    m = jnp.mean(x, axis=0)
    v = jnp.var(x, axis=0)
    return (x - m) / jnp.sqrt(v + 1e-5) * gamma + beta


def _lrelu(x):
    return jnp.where(x >= 0, x, 0.01 * x)


def setup_inputs(seed: int = 0):
    key = jax.random.key(seed)
    ks = jax.random.split(key, 8)
    h_states = jax.random.normal(ks[0], (N, H_DIM), dtype=jnp.float32)
    last_pos = 5.0 * jax.random.normal(ks[1], (N, 2), dtype=jnp.float32)
    starts = jnp.arange(0, N, PED_PER_SEQ, dtype=jnp.int32)
    seq_start_end = jnp.stack([starts, starts + PED_PER_SEQ], axis=1)
    d_in = H_DIM * MAX_CONSIDERED_PED
    W1 = jax.random.normal(ks[2], (d_in, 512), dtype=jnp.float32) / np.sqrt(d_in)
    b1 = jnp.zeros((512,), jnp.float32)
    g1 = jnp.ones((512,), jnp.float32)
    be1 = jnp.zeros((512,), jnp.float32)
    W2 = jax.random.normal(ks[3], (512, BOTTLENECK_DIM), dtype=jnp.float32) / np.sqrt(512.0)
    b2 = jnp.zeros((BOTTLENECK_DIM,), jnp.float32)
    g2 = jnp.ones((BOTTLENECK_DIM,), jnp.float32)
    be2 = jnp.zeros((BOTTLENECK_DIM,), jnp.float32)
    return {"h_states": h_states, "seq_start_end": seq_start_end, "last_pos": last_pos,
            "W1": W1, "b1": b1, "g1": g1, "be1": be1,
            "W2": W2, "b2": b2, "g2": g2, "be2": be2}


def reference(h_states, seq_start_end, last_pos, W1, b1, g1, be1, W2, b2, g2, be2):
    # Aggregation module: per-group kNN over last positions, gather neighbour
    # hidden states ordered by rank permutation (faithful to the torch code's
    # concat-id-then-sort trick, which applies the inverse of argsort), then MLP.
    G = seq_start_end.shape[0]
    P = h_states.shape[0] // G
    h = h_states.reshape(G, P, H_DIM)
    pos = last_pos.reshape(G, P, 2)
    diff = pos[:, :, None, :] - pos[:, None, :, :]
    dist = jnp.sqrt(jnp.sum(diff * diff, axis=-1))  # squareform(pdist(...))
    idx = jnp.argsort(jax.lax.stop_gradient(dist), axis=-1)  # np.argsort(dist)
    inv = jnp.argsort(idx, axis=-1)  # inverse permutation from sort-by-appended-id
    sel = inv[:, :, :MAX_CONSIDERED_PED]
    gathered = h[jnp.arange(G)[:, None, None], sel]  # [G, P, K, H]
    x = gathered.reshape(G * P, MAX_CONSIDERED_PED * H_DIM)
    x = _lrelu(_bn(x @ W1 + b1, g1, be1))
    x = _lrelu(_bn(x @ W2 + b2, g2, be2))
    return x

if __name__ == "__main__":
    import jax
    _d = setup_inputs()
    print(jax.jit(kernel)(*tuple(_d.values())))

</pallas_src>

<mosaic_0001>
#map = affine_map<(d0, d1) -> (0, 0)>
#map1 = affine_map<(d0, d1) -> (0)>
module attributes {stable_mosaic.version = 14 : i64} {
  func.func @k(%arg0: i32, %arg1: i32, %arg2: memref<16384x128xf32, #tpu.memory_space<hbm>>, %arg3: memref<262144xi32, #tpu.memory_space<hbm>>, %arg4: memref<262144x128xf32, #tpu.memory_space<hbm>>, %arg5: memref<128xi32, #tpu.memory_space<vmem>>, %arg6: memref<128x128xf32, #tpu.memory_space<vmem>>, %arg7: memref<!tpu.dma_semaphore, #tpu.memory_space<semaphore_mem>>) attributes {dimension_semantics = [#tpu.dimension_semantics<core_parallel>, #tpu.dimension_semantics<subcore_parallel>], iteration_bounds = array<i64: 2, 16>, scalar_prefetch = 0 : i64, scratch_operands = 3 : i64, tpu.core_type = #tpu.core_type<sc_vector_subcore>, window_params = [{transform_indices = #map}, {transform_indices = #map1}, {transform_indices = #map}]} {
    %mul3A = arith.constant 2 : i32
    %mul3A_0 = arith.muli %arg1, %mul3A : i32
    %add3A = arith.addi %mul3A_0, %arg0 : i32
    %mul3A_1 = arith.constant 8192 : i32
    %mul3A_2 = arith.muli %add3A, %mul3A_1 : i32
    %scan3A = arith.constant 0 : i32
    %scan3A_3 = arith.constant 0 : i32
    %scan3A_4 = arith.constant 64 : i32
    %scan3A_5 = arith.addi %scan3A_3, %scan3A_4 : i32
    %scan3A_6 = arith.constant 1 : i32
    scf.for %scan3A_8 = %scan3A_3 to %scan3A_5 step %scan3A_6  : i32 {
      %mul3A_9 = arith.constant 128 : i32
      %mul3A_10 = arith.muli %scan3A_8, %mul3A_9 : i32
      %add3A_11 = arith.addi %mul3A_2, %mul3A_10 : i32
      "tpu.region"() ({
        %run_scoped3A = tpu.sem_alloc : memref<!tpu.dma_semaphore, #tpu.memory_space<semaphore_mem>>
        %dma_start3A_16 = tpu.memref_slice %arg3[%add3A_11] : memref<262144xi32, #tpu.memory_space<hbm>> -> memref<128xi32, #tpu.memory_space<hbm>>
        %dma_start3A_17 = tpu.memref_slice %arg3[%add3A_11] : memref<262144xi32, #tpu.memory_space<hbm>> -> memref<128xi32, #tpu.memory_space<hbm>>
        tpu.enqueue_dma source(%dma_start3A_17 : memref<128xi32, #tpu.memory_space<hbm>>) target(%arg5 : memref<128xi32, #tpu.memory_space<vmem>>) target_semaphore(%run_scoped3A : memref<!tpu.dma_semaphore, #tpu.memory_space<semaphore_mem>>)
        %dma_wait3A_18 = tpu.memref_slice %arg3[%add3A_11] : memref<262144xi32, #tpu.memory_space<hbm>> -> memref<128xi32, #tpu.memory_space<hbm>>
        %dma_wait3A_19 = tpu.memref_slice %arg3[%add3A_11] : memref<262144xi32, #tpu.memory_space<hbm>> -> memref<128xi32, #tpu.memory_space<hbm>>
        tpu.wait_dma2 semaphore(%run_scoped3A : memref<!tpu.dma_semaphore, #tpu.memory_space<semaphore_mem>>) src(%dma_wait3A_19 : memref<128xi32, #tpu.memory_space<hbm>>) dst(%arg5 : memref<128xi32, #tpu.memory_space<vmem>>)
        tpu.yield
      }) : () -> ()
      %dma_start3A = arith.constant 0 : i32
      %dma_start3A_12 = arith.constant 0 : i32
      %dma_start3A_13 = tpu.memref_slice %arg2[%dma_start3A, %dma_start3A_12] : memref<16384x128xf32, #tpu.memory_space<hbm>> -> memref<16384x128xf32, #tpu.memory_space<hbm>>
      tpu.enqueue_indirect_dma source(%dma_start3A_13 : memref<16384x128xf32, #tpu.memory_space<hbm>>) target(%arg6 : memref<128x128xf32, #tpu.memory_space<vmem>>) offsets(%arg5 : memref<128xi32, #tpu.memory_space<vmem>>) semaphore(%arg7 : memref<!tpu.dma_semaphore, #tpu.memory_space<semaphore_mem>>)
      %dma_wait3A = arith.constant 0 : i32
      %dma_wait3A_14 = arith.constant 0 : i32
      %dma_wait3A_15 = tpu.memref_slice %arg2[%dma_wait3A, %dma_wait3A_14] : memref<16384x128xf32, #tpu.memory_space<hbm>> -> memref<16384x128xf32, #tpu.memory_space<hbm>>
      tpu.wait_indirect_dma semaphore(%arg7 : memref<!tpu.dma_semaphore, #tpu.memory_space<semaphore_mem>>) src(%dma_wait3A_15 : memref<16384x128xf32, #tpu.memory_space<hbm>>) dst(%arg6 : memref<128x128xf32, #tpu.memory_space<vmem>>)
      "tpu.region"() ({
        %run_scoped3A = tpu.sem_alloc : memref<!tpu.dma_semaphore, #tpu.memory_space<semaphore_mem>>
        %dma_start3A_16 = arith.constant 0 : i32
        %dma_start3A_17 = tpu.memref_slice %arg4[%add3A_11, %dma_start3A_16] : memref<262144x128xf32, #tpu.memory_space<hbm>> -> memref<128x128xf32, #tpu.memory_space<hbm>>
        %dma_start3A_18 = arith.constant 0 : i32
        %dma_start3A_19 = tpu.memref_slice %arg4[%add3A_11, %dma_start3A_18] : memref<262144x128xf32, #tpu.memory_space<hbm>> -> memref<128x128xf32, #tpu.memory_space<hbm>>
        tpu.enqueue_dma source(%arg6 : memref<128x128xf32, #tpu.memory_space<vmem>>) target(%dma_start3A_19 : memref<128x128xf32, #tpu.memory_space<hbm>>) target_semaphore(%run_scoped3A : memref<!tpu.dma_semaphore, #tpu.memory_space<semaphore_mem>>)
        %dma_wait3A_20 = arith.constant 0 : i32
        %dma_wait3A_21 = tpu.memref_slice %arg4[%add3A_11, %dma_wait3A_20] : memref<262144x128xf32, #tpu.memory_space<hbm>> -> memref<128x128xf32, #tpu.memory_space<hbm>>
        %dma_wait3A_22 = arith.constant 0 : i32
        %dma_wait3A_23 = tpu.memref_slice %arg4[%add3A_11, %dma_wait3A_22] : memref<262144x128xf32, #tpu.memory_space<hbm>> -> memref<128x128xf32, #tpu.memory_space<hbm>>
        tpu.wait_dma2 semaphore(%run_scoped3A : memref<!tpu.dma_semaphore, #tpu.memory_space<semaphore_mem>>) src(%arg6 : memref<128x128xf32, #tpu.memory_space<vmem>>) dst(%dma_wait3A_23 : memref<128x128xf32, #tpu.memory_space<hbm>>)
        tpu.yield
      }) : () -> ()
    }
    %scan3A_7 = arith.constant 64 : i32
    return
  }
}

</mosaic_0001>

<sc_bundles>
// kernel: run.3.cloned.1.call-start
scs
__scs_entry_jumppad:
0x0: {  	(pc) =	sbr.rel $0x88, $3  }
0x1: {  	(tag) =	ssettag $0x0;
	lr =	simm.s32 $0x1  }
0x2: {  	[smem:$0x3F9F] =	sst lr;
	_ =	strace $0xD0000000  }
0x3: {  	_ = 	snop  }
0x4: {  	_ = 	snop  }
0x5: {  	_ = 	snop  }
0x6: {  	_ = 	snop  }
0x7: {  	_ = 	snop  }
__scs_overlays_trampoline_lowered:
0x8: {  	[smem:$0x3FAE] =	sst s0  }
0x9: {  	[smem:$0x3FAF] =	sst s1  }
0xa: {  	[smem:$0x3FB0] =	sst s2  }
0xb: {  	[smem:$0x3FB1] =	sst s3  }
0xc: {  	[smem:$0x3FB2] =	sst s4  }
0xd: {  	[smem:$0x3FB3] =	sst s5  }
0xe: {  	[smem:$0x3FB4] =	sst s6  }
0xf: {  	[smem:$0x3FB5] =	sst s7  }
0x10: {  	[smem:$0x3FB6] =	sst s8  }
0x11: {  	[smem:$0x3FB7] =	sst s9;
	s0 =	simm.s32 @!p0 $0x0  }
0x12: {  	s1 =	sld [smem:$0x3F9D];
	s0 =	simm.s32 @p0 $0x1  }
0x13: {  	[smem:$0x3FB8] =	sst s0;
	s0 =	simm.s32 @!p1 $0x0  }
0x14: {  	s2 =	sld [smem:$0x3F9C];
	s0 =	simm.s32 @p1 $0x1  }
0x15: {  	[smem:$0x3FB9] =	sst s0;
	s0 =	simm.s32 @!p2 $0x0  }
0x16: {  	s3 =	sld [smem:$0x3FDB];
	s0 =	simm.s32 @p2 $0x1  }
0x17: {  	s4 =	simm.s32 $0x1BF5;
	[smem:$0x3FBB] =	sst s0  }
0x18: {  	s0 =	sld [smem:$0x3F9E];
	_ =	swait.ge [sflag:s4], $0x0  }
0x19: {  	s7 =	sld [smem:$0x3F9F]  }
0x1a: {  	s8 =	sadd.s32 $0xFFFFE003, lr  }
0x1b: {  	s9 =	sadd.s32 $0xFFFFFEF7, lr;
	s5 =	simm.s32 $0xFFFFFFFF;
	p2 =	slt.u32 s8, $0xFFFFF086  }
0x1c: {  	p1 =	slt.u32 s9, $0xF7A;
	s5 =	simm.s32 @!p2 $0x0  }
0x1d: {  	s5 =	simm.s32 @p1 $0x1;
	p0 =	seq.s32 s7, s2  }
0x1e: {  	s7 =	smul.u32 @!p0 $0xF7A, s2;
	p2 =	seq.s32 @!p0 s5, $0x0  }
0x1f: {  	s9 =	smul.u32 $0xF7A, s1;
	s8 =	simm.s32 @!p0 $0x1BF5;
	p2 =	por !p2, p0  }
0x20: {  	[sflag:s8] =	ssyncset.s32 @!p0 $0xFFFFF086;
	s6 =	sadd.s32 @!p0 s3, s7;
	s7 =	simm.s32 @!p0 $0x108  }
0x21: {  	s3 =	sadd.s32 s3, s9;
	s6 =	sadd.s32 @!p0 $0x88, s6;
	s7 =	simm.s32 @p2 $0x1082  }
0x22: {  	[simem:s7], [sflag:s8] =	dma.local @!p0 [hbm:s6], $0xF7A  }
0x23: {  	s9 =	sor.u32 $0xD0000000, s2;
	s6 =	simm.s32 $0x108;
	_ =	swait.ge @!p0 [sflag:s8], $0x0  }
0x24: {  	s3 =	sadd.s32 $0x88, s3;
	s6 =	simm.s32 @!p1 $0x1082;
	[sflag:s4] =	ssyncset.s32 $0xFFFFF086  }
0x25: {  	[simem:s6], [sflag:s4] =	dma.local [hbm:s3], $0xF7A  }
0x26: {  	[smem:$0x3F9F] =	sst s1;
	(tag) =	ssettag s2;
	_ =	strace s9  }
0x27: {  	s1 =	sld [smem:$0x3FAF]  }
0x28: {  	s2 =	sld [smem:$0x3FB0]  }
0x29: {  	s4 =	sld [smem:$0x3FB2]  }
0x2a: {  	p0 =	seq.s32 s5, $0x0;
	s5 =	sld [smem:$0x3FB3]  }
0x2b: {  	s6 =	sld [smem:$0x3FB4]  }
0x2c: {  	s7 =	sld [smem:$0x3FB5]  }
0x2d: {  	s3 =	simm.s32 $0x108;
	s8 =	sld [smem:$0x3FB6]  }
0x2e: {  	s3 =	simm.s32 @!p0 $0x1082;
	s9 =	sld [smem:$0x3FB7]  }
0x2f: {  	lr =	sadd.s32 s0, s3;
	s0 =	sld [smem:$0x3FAE]  }
0x30: {  	s3 =	sld [smem:$0x3FB1]  }
0x31: {  	[smem:$0x3FBA] =	sst s10  }
0x32: {  	s10 =	sld [smem:$0x3FB8];
	_ =	sdelay $0x3  }
0x33: {  	p0 =	seq.s32 s10, $0x1;
	s10 =	sld [smem:$0x3FBA];
	_ =	sdelay $0x3  }
0x34: {  	[smem:$0x3FBA] =	sst s10  }
0x35: {  	s10 =	sld [smem:$0x3FB9];
	_ =	sdelay $0x3  }
0x36: {  	p1 =	seq.s32 s10, $0x1;
	s10 =	sld [smem:$0x3FBA];
	_ =	sdelay $0x3  }
0x37: {  	[smem:$0x3FBA] =	sst s10  }
0x38: {  	s10 =	sld [smem:$0x3FBB]  }
0x39: {  	_ = 	snop;
	(pc) =	sbr.ind lr, $3  }
0x3a: {  	_ = 	snop  }
0x3b: {  	_ = 	snop  }
0x3c: {  	p2 =	seq.s32 s10, $0x1;
	s10 =	sld [smem:$0x3FBA]  }
0x3d: {  	_ =	shalt  }
0x3e: {  	_ =	shalt  }
0x3f: {  	_ =	shalt  }
0x40: {  	_ =	shalt  }
0x41: {  	_ =	shalt  }
0x42: {  	_ =	shalt  }
0x43: {  	_ =	shalt  }
0x44: {  	_ =	shalt  }
0x45: {  	_ =	shalt  }
0x46: {  	_ =	shalt  }
0x47: {  	_ =	shalt  }
0x48: {  	_ =	shalt  }
0x49: {  	_ =	shalt  }
0x4a: {  	_ =	shalt  }
0x4b: {  	_ =	shalt  }
0x4c: {  	_ =	shalt  }
0x4d: {  	_ =	shalt  }
0x4e: {  	_ =	shalt  }
0x4f: {  	_ =	shalt  }
0x50: {  	_ =	shalt  }
0x51: {  	_ =	shalt  }
0x52: {  	_ =	shalt  }
0x53: {  	_ =	shalt  }
0x54: {  	_ =	shalt  }
0x55: {  	_ =	shalt  }
0x56: {  	_ =	shalt  }
0x57: {  	_ =	shalt  }
0x58: {  	_ =	shalt  }
0x59: {  	_ =	shalt  }
0x5a: {  	_ =	shalt  }
0x5b: {  	_ =	shalt  }
0x5c: {  	_ =	shalt  }
0x5d: {  	_ =	shalt  }
0x5e: {  	_ =	shalt  }
0x5f: {  	_ =	shalt  }
0x60: {  	_ =	shalt  }
0x61: {  	_ =	shalt  }
0x62: {  	_ =	shalt  }
0x63: {  	_ =	shalt  }
0x64: {  	_ =	shalt  }
0x65: {  	_ =	shalt  }
0x66: {  	_ =	shalt  }
0x67: {  	_ =	shalt  }
0x68: {  	_ =	shalt  }
0x69: {  	_ =	shalt  }
0x6a: {  	_ =	shalt  }
0x6b: {  	_ =	shalt  }
0x6c: {  	_ =	shalt  }
0x6d: {  	_ =	shalt  }
0x6e: {  	_ =	shalt  }
0x6f: {  	_ =	shalt  }
0x70: {  	_ =	shalt  }
0x71: {  	_ =	shalt  }
0x72: {  	_ =	shalt  }
0x73: {  	_ =	shalt  }
0x74: {  	_ =	shalt  }
0x75: {  	_ =	shalt  }
0x76: {  	_ =	shalt  }
0x77: {  	_ =	shalt  }
0x78: {  	_ =	shalt  }
0x79: {  	_ =	shalt  }
0x7a: {  	_ =	shalt  }
0x7b: {  	_ =	shalt  }
0x7c: {  	_ =	shalt  }
0x7d: {  	_ =	shalt  }
0x7e: {  	_ =	shalt  }
0x7f: {  	_ =	shalt  }
0x80: {  	_ =	shalt  }
0x81: {  	_ =	shalt  }
0x82: {  	_ =	shalt  }
0x83: {  	_ =	shalt  }
0x84: {  	_ =	shalt  }
0x85: {  	_ =	shalt  }
0x86: {  	_ =	shalt  }
0x87: {  	_ =	shalt  }
.Lfunc_end0:
.L_simem_size_0:
called_computation_lowered:
.L_overlay_start_0:
0x88: {  	s2 =	sld [smem:$0x3FD9]  }
0x89: {  	s3 =	sld [smem:$0x3FFE];
	_ =	sdelay $0x1  }
0x8a: {  	s1 =	srdreg.scid  }
0x8b: {  	s0 =	sand.u32 $0x1, s1  }
0x8c: {  	s18 =	sshll.u32 s0, $0xA;
	s2 =	sadd.s32 s3, s2  }
0x8d: {  	s2 =	sadd.s32 s2, s18  }
0x8e: {  	[smem:$0x3FC6] =	sst s2  }
0x8f: {  	_ = 	snop  }
0x90: {  	s2 =	sld [smem:$0x3FC9]  }
0x91: {  	s19 =	sld [smem:$0x3FC8]  }
0x92: {  	s4 =	sld [smem:$0x3FD0];
	(tm) =	ssettm $0x1  }
0x93: {  	s5 =	sld [smem:$0x3FFB];
	_ =	sdelay $0x3  }
0x94: {  	_ =	strace s5  }
0x95: {  	s5 =	sld [smem:$0x3FFC];
	_ =	sdelay $0x3  }
0x96: {  	_ =	strace s5  }
0x97: {  	s5 =	sld [smem:$0x3FFD];
	_ =	sdelay $0x3  }
0x98: {  	_ =	strace s5  }
0x99: {  	_ =	strace $0x8FFFFFFF  }
0x9a: {  	s20 =	sld [smem:$0x3FDB];
	_ =	sdelay $0x1  }
0x9b: {  	s6 =	simm.s32 $_scs_section_size  }
0x9c: {  	s7 =	simm.s32 $_size__tile_overlayer_lowered;
	s8 =	simm.s32 $_tile_overlayer_lowered  }
0x9d: {  	s23 =	simm.s32 $0x1BFF;
	s22 =	sshll.u32 s8, $0x1;
	s5 =	sadd.s32 s6, s20  }
0x9e: {  	s9 =	simm.s32 $0x0;
	s21 =	sshll.u32 s7, $0x1;
	s7 =	sadd.s32 s22, s5  }
0x9f: {  	[timem:s9], [sflag:s23] =	dma.local [hbm:s7], s21  }
0xa0: {  	_ =	swait.ge [sflag:s23], s21  }
0xa1: {  	s6 =	ssub.s32 $0x0, s21;
	[sflag:s23] =	ssyncset.done $0x0  }
0xa2: {  	[sflag:s23] =	ssyncadd.s32 s6;
	_ =	sdelay $0x1  }
0xa3: {  	s24 =	simm.s32 $0x1B8B  }
0xa4: {  	_ =	swait.ge [sflag:s24], $0x1  }
0xa5: {  	[sflag:s24] =	ssyncset.done $0x0  }
0xa6: {  	s25 =	simm.s32 $0x1B8E;
	[sflag:s24] =	ssyncadd.s32 $0xFFFFFFFF  }
0xa7: {  	s26 =	simm.s32 $execute0_lowered;
	[smem:$0x3FD2] =	sst s25  }
0xa8: {  	s6 =	sshll.u32 s26, $0x1;
	_ =	strace $0x80000046;
	[dreg:$0x1] =	wrdreg $0xFFFFFFFF  }
0xa9: {  	s28 =	simm.s32 $_size_execute0_lowered;
	s5 =	sadd.s32 s5, s6;
	[dreg:$0x0] =	wrdreg $0x0  }
0xaa: {  	s6 =	sshll.u32 s28, $0x1;
	[dreg:$0x2] =	wrdreg s5  }
0xab: {  	[dreg:$0x3] =	wrdreg s6  }
0xac: {  	[dreg:$0x4] =	wrdreg $0xC0  }
0xad: {  	_ =	task [dreg:s9], $0x5FFFF  }
0xae: {  	[dreg:$0x1] =	wrdreg $0xFFFFFFFF  }
0xaf: {  	[dreg:$0x0] =	wrdreg $0x60  }
0xb0: {  	[dreg:$0x2] =	wrdreg s2  }
0xb1: {  	[dreg:$0x3] =	wrdreg s19  }
0xb2: {  	[dreg:$0x4] =	wrdreg s4  }
0xb3: {  	[dreg:$0x5] =	wrdreg $0x9  }
0xb4: {  	_ =	task.clear_ibuf [dreg:s9], $0x6FFFF;
	_ =	strace $0x90000046  }
0xb5: {  	s29 =	simm.s32 $0x9;
	_ =	strace $0x80000048  }
0xb6: {  	_ =	swait.ge [sflag:s29], $0x1  }
0xb7: {  	[sflag:s29] =	ssyncadd.s32 $0xFFFFFFFF  }
0xb8: {  	_ =	strace $0x90000048  }
0xb9: {  	_ =	sfence  }
0xba: {  	s30 =	sld [smem:$0x0];
	_ =	sdelay $0x2  }
0xbb: {  	s31 =	sshll.u32 s1, $0xD;
	s1 =	sshrl.u32 s1, $0x2  }
0xbc: {  	s3 =	sand.u32 $0x4000, s31;
	s1 =	sadd.s32 s1, s30  }
0xbd: {  	s0 =	sor.u32 s3, s0;
	s1 =	sshll.u32 s1, $0x11  }
0xbe: {  	s0 =	sor.u32 s1, s0  }
0xbf: {  	s0 =	sadd.s32 $0x8F2B, s0  }
0xc0: {  	[sflag:s0] =	ssyncadd.remote.s32 $0x1  }
0xc1: {  	_ =	sfence.sel $0xFFFF  }
0xc2: {  	[dreg:$0x0] =	wrdreg $0xFFFFFFFF;
	(pc) =	sbr.abs _section_cstart, $3  }
0xc3: {  	[dreg:$0x1] =	wrdreg $0xFFFFFFFF  }
0xc4: {  	_ =	task.clear_ibuf [dreg:s9], $0x2FFFF;
	_ =	strace $0x9FFFFFFF  }
0xc5: {  	(tm) =	ssettm $0x7FFFFFFF  }
tec
execute0_lowered:
.L_overlay_start_1:
0x0: {  	(tag) =	ssettag $0x1  }
0x1: {  	s1 =	rddreg [dreg:$0x0]  }
0x2: {  	s6 =	rddreg [dreg:$0x1]  }
0x3: {  	s5 =	rddreg [dreg:$0x2]  }
0x4: {  	s3 =	srdreg.scid;
	s0 =	rddreg [dreg:$0x3];
	s2 =	simm.s32 $0x0  }
0x5: {  	s7 =	sand.u32 $0x1, s3;
	[smem:$0x7FF] =	sst s2;
	s3 =	stileid.u32  }
0x6: {  	s4 =	ssub.s32 $0x2, s7;
	_ =	strace $0x80000047;
	s31 =	sshll.u32 s3, $0xE  }
0x7: {  	s9 =	sshll.u32 s7, $0xD;
	s10 =	sshll.u32 s3, $0x12;
	s7 =	sshll.u32 s7, $0x11  }
0x8: {  	s8 =	sshrl.u32 s4, $0x1;
	s5 =	sadd.s32 s10, s5;
	s10 =	simm.s32 $0x0  }
0x9: {  	s4 =	ssub.s32 s4, s8;
	s8 =	sor.u32 s9, s31;
	s5 =	sadd.s32 s7, s5  }
0xa: {  	s7 =	simm.s32 $0x2;
	s9 =	simm.s32 $0x1;
	s8 =	sshrl.u32 s8, $0x3  }
0xb: {  	s4 =	smax.u32 s4, $0x1;
	s6 =	sadd.s32 s8, s6;
	s8 =	simm.s32 $0x80  }
.LBB2_1:
0xc: {  	s11 =	sadd.s32 $0x0, s6  }
0xd: {  	[tilespmem:s2], [sflag:$0x2] =	stream.linear.gather [hbm4b:s11+s2], $0x80, $0x38;
	[tilespmem:$0x4080] =	vst v63  }
0xe: {  	_ =	swait.ge [sflag:s7], $0x80  }
0xf: {  	[sflag:s7] =	ssyncset.done $0x0  }
0x10: {  	[sflag:s7] =	ssyncadd.s32 $0xFFFFFF80  }
0x11: {  	[tilespmem:s8], [sflag:$0x1] =	stream.indirect.gather [hbm4b:s1+s8], $0x80, s2, s8, $0xb8;
	[tilespmem:$0x4080] =	vst v63  }
0x12: {  	_ =	swait.ge [sflag:s9], $0x4000  }
0x13: {  	[sflag:s9] =	ssyncset.done $0x0  }
0x14: {  	[sflag:s9] =	ssyncadd.s32 $0xFFFFC000  }
0x15: {  	[hbm4b:s5+s2] =	stream.linear.scatter [tilespmem:s8], [sflag:$0x2], $0x4000, $0x38;
	[tilespmem:$0x4080] =	vst v63  }
0x16: {  	s12 =	simm.s32 $0x10;
	_ =	swait.ge [sflag:s7], $0x4000  }
0x17: {  	s13 =	simm.s32 $0x20;
	s11 =	sadd.s32 $0x800, s5;
	[sflag:s7] =	ssyncset.done $0x0  }
.LBB2_2:
0x18: {  	s14 =	sadd.s32 s12, s6  }
0x19: {  	[sflag:s7] =	ssyncadd.s32 $0xFFFFC000;
	s12 =	smov.u32 s13;
	s15 =	sadd.s32 $0x10, s13  }
0x1a: {  	[tilespmem:s2], [sflag:$0x2] =	stream.linear.gather [hbm4b:s14+s2], $0x80, $0x38;
	[tilespmem:$0x4080] =	vst v63  }
0x1b: {  	p0 =	sne.s32 s13, $0x3F0;
	_ =	swait.ge [sflag:s7], $0x80  }
0x1c: {  	[sflag:s7] =	ssyncset.done $0x0  }
0x1d: {  	[sflag:s7] =	ssyncadd.s32 $0xFFFFFF80  }
0x1e: {  	[tilespmem:s8], [sflag:$0x1] =	stream.indirect.gather [hbm4b:s1+s8], $0x80, s2, s8, $0xb8;
	[tilespmem:$0x4080] =	vst v63  }
0x1f: {  	_ =	swait.ge [sflag:s9], $0x4000  }
.Ltmp0:
0x20: {  	[sflag:s9] =	ssyncset.done $0x0;
	(pc) =	sbr.rel @p0 .LBB2_2-.Ltmp0, $4  }
0x21: {  	[sflag:s9] =	ssyncadd.s32 $0xFFFFC000  }
0x22: {  	[hbm4b:s11+s2] =	stream.linear.scatter [tilespmem:s8], [sflag:$0x2], $0x4000, $0x38;
	[tilespmem:$0x4080] =	vst v63  }
0x23: {  	_ =	swait.ge [sflag:s7], $0x4000  }
0x24: {  	s13 =	smov.u32 s15;
	s11 =	sadd.s32 $0x800, s11;
	[sflag:s7] =	ssyncset.done $0x0  }
0x25: {  	s12 =	sadd.s32 s12, s6;
	[sflag:s7] =	ssyncadd.s32 $0xFFFFC000  }
0x26: {  	[tilespmem:s2], [sflag:$0x2] =	stream.linear.gather [hbm4b:s12+s2], $0x80, $0x38;
	[tilespmem:$0x4080] =	vst v63  }
0x27: {  	_ =	swait.ge [sflag:s7], $0x80  }
0x28: {  	[sflag:s7] =	ssyncset.done $0x0  }
0x29: {  	[sflag:s7] =	ssyncadd.s32 $0xFFFFFF80  }
0x2a: {  	[tilespmem:s8], [sflag:$0x1] =	stream.indirect.gather [hbm4b:s1+s8], $0x80, s2, s8, $0xb8;
	[tilespmem:$0x4080] =	vst v63  }
0x2b: {  	s10 =	sadd.s32 $0x1, s10;
	_ =	swait.ge [sflag:s9], $0x4000  }
0x2c: {  	p0 =	sne.s32 s10, s4;
	[sflag:s9] =	ssyncset.done $0x0  }
.Ltmp1:
0x2d: {  	[sflag:s9] =	ssyncadd.s32 $0xFFFFC000;
	(pc) =	sbr.rel @p0 .LBB2_1-.Ltmp1, $4  }
0x2e: {  	[hbm4b:s11+s2] =	stream.linear.scatter [tilespmem:s8], [sflag:$0x2], $0x4000, $0x38;
	[tilespmem:$0x4080] =	vst v63  }
0x2f: {  	_ =	swait.ge [sflag:s7], $0x4000  }
0x30: {  	[sflag:s7] =	ssyncset.done $0x0  }
0x31: {  	[sflag:s7] =	ssyncadd.s32 $0xFFFFC000  }
0x32: {  	_ =	sfence.sel $0x180000  }
0x33: {  	[bflag:$0x0] =	sbarrier.arrive $0xFFFF  }
0x34: {  	p0 =	sne.s32 s3, $0x0;
	_ =	strace $0x90000047  }
0x35: {  	s0 =	sadd.s32 @!p0 $0x100000, s0;
	[bflag:$0x2] =	sbarrier.arrive $0xFFFF  }
0x36: {  	[sflag:s0] =	ssyncadd.tile.s32 @!p0 $0x1;
	_ =	shalt  }
.Lfunc_end2:
_tile_overlayer_lowered:
.L_overlay_start_2:
0x37: {  	(tag) =	ssettag $0x2  }
0x38: {  	s0 =	rddreg [dreg:$0x0];
	s2 =	stileid.u32  }
0x39: {  	s1 =	rddreg [dreg:$0x1];
	p0 =	sne.s32 s2, $0x0  }
0x3a: {  	s3 =	rddreg [dreg:$0x2];
	[bflag:$0x3] =	sbarrier.arrive $0xFFFF;
	s2 =	simm.s32 @!p0 $0x1C02  }
0x3b: {  	[timem:s3], [sflag:s2] =	dma.local @!p0 [hbm:s0], s1  }
0x3c: {  	s0 =	simm.s32 @!p0 $0x2  }
0x3d: {  	_ =	swait.ge @!p0 [sflag:s0], s1  }
0x3e: {  	s1 =	ssub.s32 @!p0 $0x0, s1;
	[sflag:s0] =	ssyncset.done @!p0 $0x0  }
0x3f: {  	[sflag:s0] =	ssyncadd.s32 @!p0 s1  }
0x40: {  	[bflag:$0x3] =	sbarrier.arrive $0xFFFF  }
0x41: {  	_ =	shalt  }

</sc_bundles>
